<compile_context>
chip_gen: v7x
topology: tpu7x:2x2x1
jax: 0.10.2.dev20260603
libtpu: 0.0.44.dev20260713+nightly
codegen_flags: <defaults>
</compile_context>

<pallas_src>
import functools

import jax
import jax.numpy as jnp
from jax import lax
from jax.experimental import pallas as pl
from jax.experimental.pallas import tpu as pltpu
from jax.experimental.pallas import tpu_sc as plsc

T = 2
D = 16
B = 4096
L = 20
HASH = 100000
LR = 0.01

NC = 2
NS = 16
LANES = 16

BAGS_PER_TILE = B // NS
IDX_PER_TILE = BAGS_PER_TILE * L
ROWS_PER_TILE = HASH // NS
CHUNK = 128
HALVES = BAGS_PER_TILE // CHUNK
NSTREAMS = L * HALVES


def _body(w_hbm, gt_hbm, idx_hbm, out_hbm, idx_v, grad_v, idx_t, tab_s, sem_tab, sem_sc):
    t = lax.axis_index("c")
    s = lax.axis_index("s")

    tab_cp = pltpu.async_copy(
        w_hbm.at[t, pl.ds(s * ROWS_PER_TILE, ROWS_PER_TILE)],
        tab_s.at[pl.ds(s * ROWS_PER_TILE, ROWS_PER_TILE)],
        sem_tab,
    )
    pltpu.sync_copy(idx_hbm.at[t, s], idx_v)
    pltpu.sync_copy(gt_hbm.at[t, pl.ds(s * BAGS_PER_TILE, BAGS_PER_TILE)], grad_v)

    def scale(i, _):
        grad_v[i, :] = grad_v[i, :] * (-LR)
        return 0

    lax.fori_loop(0, BAGS_PER_TILE, scale, 0)

    iota_l = lax.iota(jnp.int32, LANES) * L

    def transpose(r, _):
        j = r // 16
        rem = r % 16
        lanes = iota_l + (rem * 16) * L + j
        v = plsc.load_gather(idx_v, [lanes])
        idx_t[j * HALVES + rem // 8, pl.ds((rem % 8) * LANES, LANES)] = v
        return 0

    lax.fori_loop(0, L * 16, transpose, 0)

    tab_cp.wait()
    plsc.subcore_barrier()

    def scatter(r, _):
        h = r % HALVES
        pltpu.async_copy(
            grad_v.at[pl.ds(h * CHUNK, CHUNK)],
            tab_s.at[idx_t.at[r]],
            sem_sc,
            add=True,
        )
        return 0

    lax.fori_loop(0, NSTREAMS, scatter, 0)

    def drain(r, _):
        h = r % HALVES
        pltpu.make_async_copy(
            grad_v.at[pl.ds(h * CHUNK, CHUNK)],
            tab_s.at[idx_t.at[r]],
            sem_sc,
        ).wait()
        return 0

    lax.fori_loop(0, NSTREAMS, drain, 0)

    plsc.subcore_barrier()
    pltpu.sync_copy(
        tab_s.at[pl.ds(s * ROWS_PER_TILE, ROWS_PER_TILE)],
        out_hbm.at[t, pl.ds(s * ROWS_PER_TILE, ROWS_PER_TILE)],
    )


@functools.partial(jax.jit, static_argnums=())
def _impl(w, gt, idx):
    mesh = plsc.VectorSubcoreMesh(core_axis_name="c", subcore_axis_name="s")
    f = functools.partial(
        pl.kernel,
        out_type=jax.ShapeDtypeStruct((T, HASH, D), jnp.float32),
        mesh=mesh,
        scratch_types=[
            pltpu.VMEM((IDX_PER_TILE,), jnp.int32),
            pltpu.VMEM((BAGS_PER_TILE, D), jnp.float32),
            pltpu.VMEM((NSTREAMS, CHUNK), jnp.int32),
            pltpu.VMEM_SHARED((HASH, D), jnp.float32),
            pltpu.SemaphoreType.DMA,
            pltpu.SemaphoreType.DMA,
        ],
        compiler_params=pltpu.CompilerParams(
            use_tc_tiling_on_sc=False, needs_layout_passes=False
        ),
    )(_body)
    return f(w, gt, idx)


def kernel(uvm_weights, grad_output, indices, offsets, hash_size_cumsum):
    del offsets, hash_size_cumsum
    w = uvm_weights.reshape(T, HASH, D)
    gt = grad_output.reshape(B, T, D).transpose(1, 0, 2)
    idx = indices.astype(jnp.int32).reshape(T, NS, IDX_PER_TILE)
    return _impl(w, gt, idx).reshape(-1)

# --- scband reference (transcript-rebuilt; emitter-appended) ---
"""Pipeline reference for scband-graph-module-11879879541764 (READ-ONLY COPY).

The authoritative reference and input builder live on the scoring server;
editing this copy changes nothing except your own understanding.
"""

import jax, jax.numpy as jnp
import numpy as np

# Config mirroring the fbgemm split-embedding backward-SGD graph, scaled to RECSYS shapes
T = 2          # num tables
D = 16         # embedding dim per table (uniform, so D_offsets = [0, D, 2D])
B = 4096       # batch size
L = 20         # bag size (hist_len); offsets = arange(T*B+1) * L
HASH = 100000  # rows per table; hash_size_cumsum = [0, HASH, 2*HASH]
LR = 0.01      # learning_rate baked into the graph


def setup_inputs(seed: int = 0) -> dict:
    key = jax.random.key(seed)
    k1, k2, k3 = jax.random.split(key, 3)
    total = T * B * L
    uvm_weights = jax.random.normal(k1, (T * HASH * D,), dtype=jnp.float32) * 0.01
    indices = jax.random.randint(k2, (total,), 0, HASH)
    offsets = jnp.arange(T * B + 1) * L  # fbgemm layout: offsets[t*B + b]
    hash_size_cumsum = jnp.array([0, HASH, 2 * HASH])
    grad_output = jax.random.normal(k3, (B, T * D), dtype=jnp.float32)
    return {
        "uvm_weights": uvm_weights,
        "grad_output": grad_output,
        "indices": indices,
        "offsets": offsets,
        "hash_size_cumsum": hash_size_cumsum,
    }


def reference(uvm_weights, grad_output, indices, offsets, hash_size_cumsum):
    # Faithful math of split_embedding_backward_codegen_sgd_unweighted_exact:
    # for each bag (t, b) and each index i in that bag:
    #   row = hash_size_cumsum[t] + indices[i]
    #   weights[row, :] -= lr * grad_output[b, t*D:(t+1)*D]
    # (pooling_mode=0 == SUM, so the pooled grad is broadcast to every index in the bag)
    total = indices.shape[0]
    pos = jnp.arange(total)
    bag = jnp.searchsorted(offsets, pos, side="right") - 1  # [total], in [0, T*B)
    t = bag // B
    b = bag % B
    grad3 = grad_output.reshape(B, T, D)
    per_index_grad = grad3[b, t]                 # gather: [total, D]
    rows = indices + hash_size_cumsum[t]         # global row ids in [0, T*HASH)
    w2d = uvm_weights.reshape(T * HASH, D)
    new_w2d = w2d.at[rows].add(-LR * per_index_grad)  # scatter-add SGD update (exact)
    return new_w2d.reshape(-1)

if __name__ == "__main__":
    import jax
    _d = setup_inputs()
    print(jax.jit(kernel)(*tuple(_d.values())))

</pallas_src>

<mosaic_0001>
#map = affine_map<(d0, d1) -> (0, 0, 0)>
module attributes {stable_mosaic.version = 14 : i64} {
  func.func @_body(%arg0: i32, %arg1: i32, %arg2: memref<2x100000x16xf32, #tpu.memory_space<hbm>>, %arg3: memref<2x4096x16xf32, #tpu.memory_space<hbm>>, %arg4: memref<2x16x5120xi32, #tpu.memory_space<hbm>>, %arg5: memref<2x100000x16xf32, #tpu.memory_space<hbm>>, %arg6: memref<5120xi32, #tpu.memory_space<vmem>>, %arg7: memref<256x16xf32, #tpu.memory_space<vmem>>, %arg8: memref<40x128xi32, #tpu.memory_space<vmem>>, %arg9: memref<100000x16xf32, #tpu.memory_space<vmem_shared>>, %arg10: memref<!tpu.dma_semaphore, #tpu.memory_space<semaphore_mem>>, %arg11: memref<!tpu.dma_semaphore, #tpu.memory_space<semaphore_mem>>) attributes {dimension_semantics = [#tpu.dimension_semantics<core_parallel>, #tpu.dimension_semantics<subcore_parallel>], iteration_bounds = array<i64: 2, 16>, scalar_prefetch = 0 : i64, scratch_operands = 6 : i64, tpu.core_type = #tpu.core_type<sc_vector_subcore>, window_params = [{transform_indices = #map}, {transform_indices = #map}, {transform_indices = #map}, {transform_indices = #map}]} {
    %mul3A = arith.constant 6250 : i32
    %mul3A_0 = arith.muli %arg1, %mul3A : i32
    %mul3A_1 = arith.constant 6250 : i32
    %mul3A_2 = arith.muli %arg1, %mul3A_1 : i32
    %dma_start3A = arith.constant 0 : i32
    %dma_start3A_3 = tpu.memref_slice %arg9[%mul3A_2, %dma_start3A] : memref<100000x16xf32, #tpu.memory_space<vmem_shared>> -> memref<6250x16xf32, #tpu.memory_space<vmem_shared>>
    %dma_start3A_4 = arith.constant 0 : i32
    %dma_start3A_5 = tpu.memref_slice %arg2[%arg0, %mul3A_0, %dma_start3A_4] : memref<2x100000x16xf32, #tpu.memory_space<hbm>> -> memref<1x6250x16xf32, #tpu.memory_space<hbm>>
    %dma_start3A_6 = tpu.memref_squeeze %dma_start3A_5 : memref<1x6250x16xf32, #tpu.memory_space<hbm>> -> memref<6250x16xf32, #tpu.memory_space<hbm>>
    tpu.enqueue_dma source(%dma_start3A_6 : memref<6250x16xf32, #tpu.memory_space<hbm>>) target(%dma_start3A_3 : memref<6250x16xf32, #tpu.memory_space<vmem_shared>>) target_semaphore(%arg10 : memref<!tpu.dma_semaphore, #tpu.memory_space<semaphore_mem>>)
    "tpu.region"() ({
      %run_scoped3A = tpu.sem_alloc : memref<!tpu.dma_semaphore, #tpu.memory_space<semaphore_mem>>
      %dma_start3A_48 = arith.constant 0 : i32
      %dma_start3A_49 = tpu.memref_slice %arg4[%arg0, %arg1, %dma_start3A_48] : memref<2x16x5120xi32, #tpu.memory_space<hbm>> -> memref<1x1x5120xi32, #tpu.memory_space<hbm>>
      %dma_start3A_50 = tpu.memref_squeeze %dma_start3A_49 : memref<1x1x5120xi32, #tpu.memory_space<hbm>> -> memref<5120xi32, #tpu.memory_space<hbm>>
      %dma_start3A_51 = arith.constant 0 : i32
      %dma_start3A_52 = tpu.memref_slice %arg4[%arg0, %arg1, %dma_start3A_51] : memref<2x16x5120xi32, #tpu.memory_space<hbm>> -> memref<1x1x5120xi32, #tpu.memory_space<hbm>>
      %dma_start3A_53 = tpu.memref_squeeze %dma_start3A_52 : memref<1x1x5120xi32, #tpu.memory_space<hbm>> -> memref<5120xi32, #tpu.memory_space<hbm>>
      tpu.enqueue_dma source(%dma_start3A_53 : memref<5120xi32, #tpu.memory_space<hbm>>) target(%arg6 : memref<5120xi32, #tpu.memory_space<vmem>>) target_semaphore(%run_scoped3A : memref<!tpu.dma_semaphore, #tpu.memory_space<semaphore_mem>>)
      %dma_wait3A_54 = arith.constant 0 : i32
      %dma_wait3A_55 = tpu.memref_slice %arg4[%arg0, %arg1, %dma_wait3A_54] : memref<2x16x5120xi32, #tpu.memory_space<hbm>> -> memref<1x1x5120xi32, #tpu.memory_space<hbm>>
      %dma_wait3A_56 = tpu.memref_squeeze %dma_wait3A_55 : memref<1x1x5120xi32, #tpu.memory_space<hbm>> -> memref<5120xi32, #tpu.memory_space<hbm>>
      %dma_wait3A_57 = arith.constant 0 : i32
      %dma_wait3A_58 = tpu.memref_slice %arg4[%arg0, %arg1, %dma_wait3A_57] : memref<2x16x5120xi32, #tpu.memory_space<hbm>> -> memref<1x1x5120xi32, #tpu.memory_space<hbm>>
      %dma_wait3A_59 = tpu.memref_squeeze %dma_wait3A_58 : memref<1x1x5120xi32, #tpu.memory_space<hbm>> -> memref<5120xi32, #tpu.memory_space<hbm>>
      tpu.wait_dma2 semaphore(%run_scoped3A : memref<!tpu.dma_semaphore, #tpu.memory_space<semaphore_mem>>) src(%dma_wait3A_59 : memref<5120xi32, #tpu.memory_space<hbm>>) dst(%arg6 : memref<5120xi32, #tpu.memory_space<vmem>>)
      tpu.yield
    }) : () -> ()
    %mul3A_7 = arith.constant 256 : i32
    %mul3A_8 = arith.muli %arg1, %mul3A_7 : i32
    "tpu.region"() ({
      %run_scoped3A = tpu.sem_alloc : memref<!tpu.dma_semaphore, #tpu.memory_space<semaphore_mem>>
      %dma_start3A_48 = arith.constant 0 : i32
      %dma_start3A_49 = tpu.memref_slice %arg3[%arg0, %mul3A_8, %dma_start3A_48] : memref<2x4096x16xf32, #tpu.memory_space<hbm>> -> memref<1x256x16xf32, #tpu.memory_space<hbm>>
      %dma_start3A_50 = tpu.memref_squeeze %dma_start3A_49 : memref<1x256x16xf32, #tpu.memory_space<hbm>> -> memref<256x16xf32, #tpu.memory_space<hbm>>
      %dma_start3A_51 = arith.constant 0 : i32
      %dma_start3A_52 = tpu.memref_slice %arg3[%arg0, %mul3A_8, %dma_start3A_51] : memref<2x4096x16xf32, #tpu.memory_space<hbm>> -> memref<1x256x16xf32, #tpu.memory_space<hbm>>
      %dma_start3A_53 = tpu.memref_squeeze %dma_start3A_52 : memref<1x256x16xf32, #tpu.memory_space<hbm>> -> memref<256x16xf32, #tpu.memory_space<hbm>>
      tpu.enqueue_dma source(%dma_start3A_53 : memref<256x16xf32, #tpu.memory_space<hbm>>) target(%arg7 : memref<256x16xf32, #tpu.memory_space<vmem>>) target_semaphore(%run_scoped3A : memref<!tpu.dma_semaphore, #tpu.memory_space<semaphore_mem>>)
      %dma_wait3A_54 = arith.constant 0 : i32
      %dma_wait3A_55 = tpu.memref_slice %arg3[%arg0, %mul3A_8, %dma_wait3A_54] : memref<2x4096x16xf32, #tpu.memory_space<hbm>> -> memref<1x256x16xf32, #tpu.memory_space<hbm>>
      %dma_wait3A_56 = tpu.memref_squeeze %dma_wait3A_55 : memref<1x256x16xf32, #tpu.memory_space<hbm>> -> memref<256x16xf32, #tpu.memory_space<hbm>>
      %dma_wait3A_57 = arith.constant 0 : i32
      %dma_wait3A_58 = tpu.memref_slice %arg3[%arg0, %mul3A_8, %dma_wait3A_57] : memref<2x4096x16xf32, #tpu.memory_space<hbm>> -> memref<1x256x16xf32, #tpu.memory_space<hbm>>
      %dma_wait3A_59 = tpu.memref_squeeze %dma_wait3A_58 : memref<1x256x16xf32, #tpu.memory_space<hbm>> -> memref<256x16xf32, #tpu.memory_space<hbm>>
      tpu.wait_dma2 semaphore(%run_scoped3A : memref<!tpu.dma_semaphore, #tpu.memory_space<semaphore_mem>>) src(%dma_wait3A_59 : memref<256x16xf32, #tpu.memory_space<hbm>>) dst(%arg7 : memref<256x16xf32, #tpu.memory_space<vmem>>)
      tpu.yield
    }) : () -> ()
    %scan3A = arith.constant 0 : i32
    %scan3A_9 = arith.constant 0 : i32
    %scan3A_10 = arith.constant 256 : i32
    %scan3A_11 = arith.addi %scan3A_9, %scan3A_10 : i32
    %scan3A_12 = arith.constant 1 : i32
    %scan3A_13 = scf.for %scan3A_48 = %scan3A_9 to %scan3A_11 step %scan3A_12 iter_args(%scan3A_49 = %scan3A) -> (i32)  : i32 {
      %get3A = arith.index_cast %scan3A_48 : i32 to index
      %get3A_50 = arith.constant 0 : index
      %get3A_51 = tpu.vector_load %arg7[%get3A, %get3A_50] {strides = array<i32>} : memref<256x16xf32, #tpu.memory_space<vmem>>, vector<16xf32>,
      %mul3A_52 = arith.constant -0.00999999977 : f32
      %mul3A_53 = vector.broadcast %mul3A_52 : f32 to vector<16xf32>
      %mul3A_54 = arith.mulf %get3A_51, %mul3A_53 : vector<16xf32>
      %swap3A = arith.index_cast %scan3A_48 : i32 to index
      %swap3A_55 = arith.constant 0 : index
      %swap3A_56 = tpu.vector_load %arg7[%swap3A, %swap3A_55] {strides = array<i32>} : memref<256x16xf32, #tpu.memory_space<vmem>>, vector<16xf32>,
      tpu.vector_store %arg7[%swap3A, %swap3A_55], %mul3A_54 {strides = array<i32>} : memref<256x16xf32, #tpu.memory_space<vmem>>, vector<16xf32>,
      %scan3A_57 = arith.constant 0 : i32
      scf.yield %scan3A_57 : i32
    }
    %scan3A_14 = arith.constant 256 : i32
    %iota3A = tpu.iota {dimensions = array<i32: 0>} : vector<16xi32>
    %mul3A_15 = arith.constant 20 : i32
    %mul3A_16 = vector.broadcast %mul3A_15 : i32 to vector<16xi32>
    %mul3A_17 = arith.muli %iota3A, %mul3A_16 : vector<16xi32>
    %scan3A_18 = arith.constant 0 : i32
    %scan3A_19 = arith.constant 0 : i32
    %scan3A_20 = arith.constant 320 : i32
    %scan3A_21 = arith.addi %scan3A_19, %scan3A_20 : i32
    %scan3A_22 = arith.constant 1 : i32
    %scan3A_23 = scf.for %scan3A_48 = %scan3A_19 to %scan3A_21 step %scan3A_22 iter_args(%scan3A_49 = %scan3A_18) -> (i32)  : i32 {
      %jit3A = arith.constant 16 : i32
      %div3A = arith.divsi %scan3A_48, %jit3A : i32
      %sign3A = arith.constant 0 : i32
      %sign3A_50 = arith.cmpi sgt, %scan3A_48, %sign3A : i32
      %sign3A_51 = arith.extui %sign3A_50 : i1 to i32
      %sign3A_52 = arith.constant 0 : i32
      %sign3A_53 = arith.cmpi slt, %scan3A_48, %sign3A_52 : i32
      %sign3A_54 = arith.extui %sign3A_53 : i1 to i32
      %sign3A_55 = arith.subi %sign3A_51, %sign3A_54 : i32
      %sign3A_56 = arith.constant 0 : i32
      %sign3A_57 = arith.cmpi sgt, %jit3A, %sign3A_56 : i32
      %sign3A_58 = arith.extui %sign3A_57 : i1 to i32
      %sign3A_59 = arith.constant 0 : i32
      %sign3A_60 = arith.cmpi slt, %jit3A, %sign3A_59 : i32
      %sign3A_61 = arith.extui %sign3A_60 : i1 to i32
      %sign3A_62 = arith.subi %sign3A_58, %sign3A_61 : i32
      %ne3A = arith.cmpi ne, %sign3A_55, %sign3A_62 : i32
      %rem3A = arith.remsi %scan3A_48, %jit3A : i32
      %ne3A_63 = arith.constant 0 : i32
      %ne3A_64 = arith.cmpi ne, %rem3A, %ne3A_63 : i32
      %and3A = arith.andi %ne3A, %ne3A_64 : i1
      %sub3A = arith.constant 1 : i32
      %sub3A_65 = arith.subi %div3A, %sub3A : i32
      %select_n3A = arith.select %and3A, %sub3A_65, %div3A : i32
      %jit3A_66 = arith.constant 16 : i32
      %eq3A = arith.constant 0 : i32
      %eq3A_67 = arith.cmpi eq, %jit3A_66, %eq3A : i32
      %jit3A_68 = arith.constant 1 : i32
      %select_n3A_69 = arith.select %eq3A_67, %jit3A_68, %jit3A_66 : i32
      %rem3A_70 = arith.remsi %scan3A_48, %select_n3A_69 : i32
      %ne3A_71 = arith.constant 0 : i32
      %ne3A_72 = arith.cmpi ne, %rem3A_70, %ne3A_71 : i32
      %lt3A = arith.constant 0 : i32
      %lt3A_73 = arith.cmpi slt, %rem3A_70, %lt3A : i32
      %lt3A_74 = arith.constant 0 : i32
      %lt3A_75 = arith.cmpi slt, %select_n3A_69, %lt3A_74 : i32
      %ne3A_76 = arith.xori %lt3A_73, %lt3A_75 : i1
      %and3A_77 = arith.andi %ne3A_76, %ne3A_72 : i1
      %add3A = arith.addi %rem3A_70, %select_n3A_69 : i32
      %select_n3A_78 = arith.select %and3A_77, %add3A, %rem3A_70 : i32
      %mul3A_79 = arith.constant 16 : i32
      %mul3A_80 = arith.muli %select_n3A_78, %mul3A_79 : i32
      %mul3A_81 = arith.constant 20 : i32
      %mul3A_82 = arith.muli %mul3A_80, %mul3A_81 : i32
      %add3A_83 = vector.broadcast %mul3A_82 : i32 to vector<16xi32>
      %add3A_84 = arith.addi %mul3A_17, %add3A_83 : vector<16xi32>
      %add3A_85 = vector.broadcast %select_n3A : i32 to vector<16xi32>
      %add3A_86 = arith.addi %add3A_84, %add3A_85 : vector<16xi32>
      %gather3A = tpu.vector_load_idx %arg6[%add3A_86] : memref<5120xi32, #tpu.memory_space<vmem>>[vector<16xi32>], vector<16xi32>,
      %mul3A_87 = arith.constant 2 : i32
      %mul3A_88 = arith.muli %select_n3A, %mul3A_87 : i32
      %jit3A_89 = arith.constant 8 : i32
      %div3A_90 = arith.divsi %select_n3A_78, %jit3A_89 : i32
      %sign3A_91 = arith.constant 0 : i32
      %sign3A_92 = arith.cmpi sgt, %select_n3A_78, %sign3A_91 : i32
      %sign3A_93 = arith.extui %sign3A_92 : i1 to i32
      %sign3A_94 = arith.constant 0 : i32
      %sign3A_95 = arith.cmpi slt, %select_n3A_78, %sign3A_94 : i32
      %sign3A_96 = arith.extui %sign3A_95 : i1 to i32
      %sign3A_97 = arith.subi %sign3A_93, %sign3A_96 : i32
      %sign3A_98 = arith.constant 0 : i32
      %sign3A_99 = arith.cmpi sgt, %jit3A_89, %sign3A_98 : i32
      %sign3A_100 = arith.extui %sign3A_99 : i1 to i32
      %sign3A_101 = arith.constant 0 : i32
      %sign3A_102 = arith.cmpi slt, %jit3A_89, %sign3A_101 : i32
      %sign3A_103 = arith.extui %sign3A_102 : i1 to i32
      %sign3A_104 = arith.subi %sign3A_100, %sign3A_103 : i32
      %ne3A_105 = arith.cmpi ne, %sign3A_97, %sign3A_104 : i32
      %rem3A_106 = arith.remsi %select_n3A_78, %jit3A_89 : i32
      %ne3A_107 = arith.constant 0 : i32
      %ne3A_108 = arith.cmpi ne, %rem3A_106, %ne3A_107 : i32
      %and3A_109 = arith.andi %ne3A_105, %ne3A_108 : i1
      %sub3A_110 = arith.constant 1 : i32
      %sub3A_111 = arith.subi %div3A_90, %sub3A_110 : i32
      %select_n3A_112 = arith.select %and3A_109, %sub3A_111, %div3A_90 : i32
      %add3A_113 = arith.addi %mul3A_88, %select_n3A_112 : i32
      %jit3A_114 = arith.constant 8 : i32
      %eq3A_115 = arith.constant 0 : i32
      %eq3A_116 = arith.cmpi eq, %jit3A_114, %eq3A_115 : i32
      %jit3A_117 = arith.constant 1 : i32
      %select_n3A_118 = arith.select %eq3A_116, %jit3A_117, %jit3A_114 : i32
      %rem3A_119 = arith.remsi %select_n3A_78, %select_n3A_118 : i32
      %ne3A_120 = arith.constant 0 : i32
      %ne3A_121 = arith.cmpi ne, %rem3A_119, %ne3A_120 : i32
      %lt3A_122 = arith.constant 0 : i32
      %lt3A_123 = arith.cmpi slt, %rem3A_119, %lt3A_122 : i32
      %lt3A_124 = arith.constant 0 : i32
      %lt3A_125 = arith.cmpi slt, %select_n3A_118, %lt3A_124 : i32
      %ne3A_126 = arith.xori %lt3A_123, %lt3A_125 : i1
      %and3A_127 = arith.andi %ne3A_126, %ne3A_121 : i1
      %add3A_128 = arith.addi %rem3A_119, %select_n3A_118 : i32
      %select_n3A_129 = arith.select %and3A_127, %add3A_128, %rem3A_119 : i32
      %mul3A_130 = arith.constant 16 : i32
      %mul3A_131 = arith.muli %select_n3A_129, %mul3A_130 : i32
      %swap3A = arith.index_cast %add3A_113 : i32 to index
      %swap3A_132 = arith.index_cast %mul3A_131 : i32 to index
      %swap3A_133 = tpu.vector_load %arg8[%swap3A, %swap3A_132] {strides = array<i32>} : memref<40x128xi32, #tpu.memory_space<vmem>>, vector<16xi32>,
      tpu.vector_store %arg8[%swap3A, %swap3A_132], %gather3A {strides = array<i32>} : memref<40x128xi32, #tpu.memory_space<vmem>>, vector<16xi32>,
      %scan3A_134 = arith.constant 0 : i32
      scf.yield %scan3A_134 : i32
    }
    %scan3A_24 = arith.constant 320 : i32
    %dma_wait3A = arith.constant 0 : i32
    %dma_wait3A_25 = tpu.memref_slice %arg9[%mul3A_2, %dma_wait3A] : memref<100000x16xf32, #tpu.memory_space<vmem_shared>> -> memref<6250x16xf32, #tpu.memory_space<vmem_shared>>
    %dma_wait3A_26 = arith.constant 0 : i32
    %dma_wait3A_27 = tpu.memref_slice %arg2[%arg0, %mul3A_0, %dma_wait3A_26] : memref<2x100000x16xf32, #tpu.memory_space<hbm>> -> memref<1x6250x16xf32, #tpu.memory_space<hbm>>
    %dma_wait3A_28 = tpu.memref_squeeze %dma_wait3A_27 : memref<1x6250x16xf32, #tpu.memory_space<hbm>> -> memref<6250x16xf32, #tpu.memory_space<hbm>>
    tpu.wait_dma2 semaphore(%arg10 : memref<!tpu.dma_semaphore, #tpu.memory_space<semaphore_mem>>) src(%dma_wait3A_28 : memref<6250x16xf32, #tpu.memory_space<hbm>>) dst(%dma_wait3A_25 : memref<6250x16xf32, #tpu.memory_space<vmem_shared>>)
    %barrier3A = arith.constant 0 : index
    tpu.barrier barrier_id(%barrier3A)
    %scan3A_29 = arith.constant 0 : i32
    %scan3A_30 = arith.constant 0 : i32
    %scan3A_31 = arith.constant 40 : i32
    %scan3A_32 = arith.addi %scan3A_30, %scan3A_31 : i32
    %scan3A_33 = arith.constant 1 : i32
    %scan3A_34 = scf.for %scan3A_48 = %scan3A_30 to %scan3A_32 step %scan3A_33 iter_args(%scan3A_49 = %scan3A_29) -> (i32)  : i32 {
      %jit3A = arith.constant 2 : i32
      %eq3A = arith.constant 0 : i32
      %eq3A_50 = arith.cmpi eq, %jit3A, %eq3A : i32
      %jit3A_51 = arith.constant 1 : i32
      %select_n3A = arith.select %eq3A_50, %jit3A_51, %jit3A : i32
      %rem3A = arith.remsi %scan3A_48, %select_n3A : i32
      %ne3A = arith.constant 0 : i32
      %ne3A_52 = arith.cmpi ne, %rem3A, %ne3A : i32
      %lt3A = arith.constant 0 : i32
      %lt3A_53 = arith.cmpi slt, %rem3A, %lt3A : i32
      %lt3A_54 = arith.constant 0 : i32
      %lt3A_55 = arith.cmpi slt, %select_n3A, %lt3A_54 : i32
      %ne3A_56 = arith.xori %lt3A_53, %lt3A_55 : i1
      %and3A = arith.andi %ne3A_56, %ne3A_52 : i1
      %add3A = arith.addi %rem3A, %select_n3A : i32
      %select_n3A_57 = arith.select %and3A, %add3A, %rem3A : i32
      %mul3A_58 = arith.constant 128 : i32
      %mul3A_59 = arith.muli %select_n3A_57, %mul3A_58 : i32
      %dma_start3A_60 = arith.constant 0 : i32
      %dma_start3A_61 = tpu.memref_slice %arg7[%mul3A_59, %dma_start3A_60] : memref<256x16xf32, #tpu.memory_space<vmem>> -> memref<128x16xf32, #tpu.memory_space<vmem>>
      %dma_start3A_62 = arith.constant 0 : i32
      %dma_start3A_63 = tpu.memref_slice %arg8[%scan3A_48, %dma_start3A_62] : memref<40x128xi32, #tpu.memory_space<vmem>> -> memref<1x128xi32, #tpu.memory_space<vmem>>
      %dma_start3A_64 = tpu.memref_squeeze %dma_start3A_63 : memref<1x128xi32, #tpu.memory_space<vmem>> -> memref<128xi32, #tpu.memory_space<vmem>>
      %dma_start3A_65 = arith.constant 0 : i32
      %dma_start3A_66 = arith.constant 0 : i32
      %dma_start3A_67 = tpu.memref_slice %arg9[%dma_start3A_65, %dma_start3A_66] : memref<100000x16xf32, #tpu.memory_space<vmem_shared>> -> memref<100000x16xf32, #tpu.memory_space<vmem_shared>>
      tpu.enqueue_indirect_dma source(%dma_start3A_61 : memref<128x16xf32, #tpu.memory_space<vmem>>) target(%dma_start3A_67 : memref<100000x16xf32, #tpu.memory_space<vmem_shared>>) offsets(%dma_start3A_64 : memref<128xi32, #tpu.memory_space<vmem>>) semaphore(%arg11 : memref<!tpu.dma_semaphore, #tpu.memory_space<semaphore_mem>>) {add = true}
      %scan3A_68 = arith.constant 0 : i32
      scf.yield %scan3A_68 : i32
    }
    %scan3A_35 = arith.constant 40 : i32
    %scan3A_36 = arith.constant 0 : i32
    %scan3A_37 = arith.constant 0 : i32
    %scan3A_38 = arith.constant 40 : i32
    %scan3A_39 = arith.addi %scan3A_37, %scan3A_38 : i32
    %scan3A_40 = arith.constant 1 : i32
    %scan3A_41 = scf.for %scan3A_48 = %scan3A_37 to %scan3A_39 step %scan3A_40 iter_args(%scan3A_49 = %scan3A_36) -> (i32)  : i32 {
      %jit3A = arith.constant 2 : i32
      %eq3A = arith.constant 0 : i32
      %eq3A_50 = arith.cmpi eq, %jit3A, %eq3A : i32
      %jit3A_51 = arith.constant 1 : i32
      %select_n3A = arith.select %eq3A_50, %jit3A_51, %jit3A : i32
      %rem3A = arith.remsi %scan3A_48, %select_n3A : i32
      %ne3A = arith.constant 0 : i32
      %ne3A_52 = arith.cmpi ne, %rem3A, %ne3A : i32
      %lt3A = arith.constant 0 : i32
      %lt3A_53 = arith.cmpi slt, %rem3A, %lt3A : i32
      %lt3A_54 = arith.constant 0 : i32
      %lt3A_55 = arith.cmpi slt, %select_n3A, %lt3A_54 : i32
      %ne3A_56 = arith.xori %lt3A_53, %lt3A_55 : i1
      %and3A = arith.andi %ne3A_56, %ne3A_52 : i1
      %add3A = arith.addi %rem3A, %select_n3A : i32
      %select_n3A_57 = arith.select %and3A, %add3A, %rem3A : i32
      %mul3A_58 = arith.constant 128 : i32
      %mul3A_59 = arith.muli %select_n3A_57, %mul3A_58 : i32
      %dma_wait3A_60 = arith.constant 0 : i32
      %dma_wait3A_61 = tpu.memref_slice %arg7[%mul3A_59, %dma_wait3A_60] : memref<256x16xf32, #tpu.memory_space<vmem>> -> memref<128x16xf32, #tpu.memory_space<vmem>>
      %dma_wait3A_62 = arith.constant 0 : i32
      %dma_wait3A_63 = tpu.memref_slice %arg8[%scan3A_48, %dma_wait3A_62] : memref<40x128xi32, #tpu.memory_space<vmem>> -> memref<1x128xi32, #tpu.memory_space<vmem>>
      %dma_wait3A_64 = tpu.memref_squeeze %dma_wait3A_63 : memref<1x128xi32, #tpu.memory_space<vmem>> -> memref<128xi32, #tpu.memory_space<vmem>>
      %dma_wait3A_65 = arith.constant 0 : i32
      %dma_wait3A_66 = arith.constant 0 : i32
      %dma_wait3A_67 = tpu.memref_slice %arg9[%dma_wait3A_65, %dma_wait3A_66] : memref<100000x16xf32, #tpu.memory_space<vmem_shared>> -> memref<100000x16xf32, #tpu.memory_space<vmem_shared>>
      tpu.wait_indirect_dma semaphore(%arg11 : memref<!tpu.dma_semaphore, #tpu.memory_space<semaphore_mem>>) src(%dma_wait3A_61 : memref<128x16xf32, #tpu.memory_space<vmem>>) dst(%dma_wait3A_67 : memref<100000x16xf32, #tpu.memory_space<vmem_shared>>)
      %scan3A_68 = arith.constant 0 : i32
      scf.yield %scan3A_68 : i32
    }
    %scan3A_42 = arith.constant 40 : i32
    %barrier3A_43 = arith.constant 0 : index
    tpu.barrier barrier_id(%barrier3A_43)
    %mul3A_44 = arith.constant 6250 : i32
    %mul3A_45 = arith.muli %arg1, %mul3A_44 : i32
    %mul3A_46 = arith.constant 6250 : i32
    %mul3A_47 = arith.muli %arg1, %mul3A_46 : i32
    "tpu.region"() ({
      %run_scoped3A = tpu.sem_alloc : memref<!tpu.dma_semaphore, #tpu.memory_space<semaphore_mem>>
      %dma_start3A_48 = arith.constant 0 : i32
      %dma_start3A_49 = tpu.memref_slice %arg5[%arg0, %mul3A_47, %dma_start3A_48] : memref<2x100000x16xf32, #tpu.memory_space<hbm>> -> memref<1x6250x16xf32, #tpu.memory_space<hbm>>
      %dma_start3A_50 = tpu.memref_squeeze %dma_start3A_49 : memref<1x6250x16xf32, #tpu.memory_space<hbm>> -> memref<6250x16xf32, #tpu.memory_space<hbm>>
      %dma_start3A_51 = arith.constant 0 : i32
      %dma_start3A_52 = tpu.memref_slice %arg9[%mul3A_45, %dma_start3A_51] : memref<100000x16xf32, #tpu.memory_space<vmem_shared>> -> memref<6250x16xf32, #tpu.memory_space<vmem_shared>>
      tpu.enqueue_dma source(%dma_start3A_52 : memref<6250x16xf32, #tpu.memory_space<vmem_shared>>) target(%dma_start3A_50 : memref<6250x16xf32, #tpu.memory_space<hbm>>) target_semaphore(%run_scoped3A : memref<!tpu.dma_semaphore, #tpu.memory_space<semaphore_mem>>)
      %dma_wait3A_53 = arith.constant 0 : i32
      %dma_wait3A_54 = tpu.memref_slice %arg5[%arg0, %mul3A_47, %dma_wait3A_53] : memref<2x100000x16xf32, #tpu.memory_space<hbm>> -> memref<1x6250x16xf32, #tpu.memory_space<hbm>>
      %dma_wait3A_55 = tpu.memref_squeeze %dma_wait3A_54 : memref<1x6250x16xf32, #tpu.memory_space<hbm>> -> memref<6250x16xf32, #tpu.memory_space<hbm>>
      %dma_wait3A_56 = arith.constant 0 : i32
      %dma_wait3A_57 = tpu.memref_slice %arg9[%mul3A_45, %dma_wait3A_56] : memref<100000x16xf32, #tpu.memory_space<vmem_shared>> -> memref<6250x16xf32, #tpu.memory_space<vmem_shared>>
      tpu.wait_dma2 semaphore(%run_scoped3A : memref<!tpu.dma_semaphore, #tpu.memory_space<semaphore_mem>>) src(%dma_wait3A_57 : memref<6250x16xf32, #tpu.memory_space<vmem_shared>>) dst(%dma_wait3A_55 : memref<6250x16xf32, #tpu.memory_space<hbm>>)
      tpu.yield
    }) : () -> ()
    return
  }
}

</mosaic_0001>

<sc_bundles>
// kernel: _impl.3.cloned.1.call-start
scs
__scs_entry_jumppad:
0x0: {  	(pc) =	sbr.rel $0x88, $3  }
0x1: {  	(tag) =	ssettag $0x0;
	lr =	simm.s32 $0x1  }
0x2: {  	[smem:$0x3F9E] =	sst lr;
	_ =	strace $0xD0000000  }
0x3: {  	_ = 	snop  }
0x4: {  	_ = 	snop  }
0x5: {  	_ = 	snop  }
0x6: {  	_ = 	snop  }
0x7: {  	_ = 	snop  }
__scs_overlays_trampoline_lowered:
0x8: {  	[smem:$0x3FAD] =	sst s0  }
0x9: {  	[smem:$0x3FAE] =	sst s1  }
0xa: {  	[smem:$0x3FAF] =	sst s2  }
0xb: {  	[smem:$0x3FB0] =	sst s3  }
0xc: {  	[smem:$0x3FB1] =	sst s4  }
0xd: {  	[smem:$0x3FB2] =	sst s5  }
0xe: {  	[smem:$0x3FB3] =	sst s6  }
0xf: {  	[smem:$0x3FB4] =	sst s7  }
0x10: {  	[smem:$0x3FB5] =	sst s8  }
0x11: {  	[smem:$0x3FB6] =	sst s9;
	s0 =	simm.s32 @!p0 $0x0  }
0x12: {  	s1 =	sld [smem:$0x3F9C];
	s0 =	simm.s32 @p0 $0x1  }
0x13: {  	[smem:$0x3FB7] =	sst s0;
	s0 =	simm.s32 @!p1 $0x0  }
0x14: {  	s2 =	sld [smem:$0x3F9B];
	s0 =	simm.s32 @p1 $0x1  }
0x15: {  	[smem:$0x3FB8] =	sst s0;
	s0 =	simm.s32 @!p2 $0x0  }
0x16: {  	s3 =	sld [smem:$0x3FDB];
	s0 =	simm.s32 @p2 $0x1  }
0x17: {  	s4 =	simm.s32 $0x1BF5;
	[smem:$0x3FBA] =	sst s0  }
0x18: {  	s0 =	sld [smem:$0x3F9D];
	_ =	swait.ge [sflag:s4], $0x0  }
0x19: {  	s7 =	sld [smem:$0x3F9E]  }
0x1a: {  	s8 =	sadd.s32 $0xFFFFE003, lr  }
0x1b: {  	s9 =	sadd.s32 $0xFFFFFEF7, lr;
	s5 =	simm.s32 $0xFFFFFFFF;
	p2 =	slt.u32 s8, $0xFFFFF086  }
0x1c: {  	p1 =	slt.u32 s9, $0xF7A;
	s5 =	simm.s32 @!p2 $0x0  }
0x1d: {  	s5 =	simm.s32 @p1 $0x1;
	p0 =	seq.s32 s7, s2  }
0x1e: {  	s7 =	smul.u32 @!p0 $0xF7A, s2;
	p2 =	seq.s32 @!p0 s5, $0x0  }
0x1f: {  	s9 =	smul.u32 $0xF7A, s1;
	s8 =	simm.s32 @!p0 $0x1BF5;
	p2 =	por !p2, p0  }
0x20: {  	[sflag:s8] =	ssyncset.s32 @!p0 $0xFFFFF086;
	s6 =	sadd.s32 @!p0 s3, s7;
	s7 =	simm.s32 @!p0 $0x108  }
0x21: {  	s3 =	sadd.s32 s3, s9;
	s6 =	sadd.s32 @!p0 $0x88, s6;
	s7 =	simm.s32 @p2 $0x1082  }
0x22: {  	[simem:s7], [sflag:s8] =	dma.local @!p0 [hbm:s6], $0xF7A  }
0x23: {  	s9 =	sor.u32 $0xD0000000, s2;
	s6 =	simm.s32 $0x108;
	_ =	swait.ge @!p0 [sflag:s8], $0x0  }
0x24: {  	s3 =	sadd.s32 $0x88, s3;
	s6 =	simm.s32 @!p1 $0x1082;
	[sflag:s4] =	ssyncset.s32 $0xFFFFF086  }
0x25: {  	[simem:s6], [sflag:s4] =	dma.local [hbm:s3], $0xF7A  }
0x26: {  	[smem:$0x3F9E] =	sst s1;
	(tag) =	ssettag s2;
	_ =	strace s9  }
0x27: {  	s1 =	sld [smem:$0x3FAE]  }
0x28: {  	s2 =	sld [smem:$0x3FAF]  }
0x29: {  	s4 =	sld [smem:$0x3FB1]  }
0x2a: {  	p0 =	seq.s32 s5, $0x0;
	s5 =	sld [smem:$0x3FB2]  }
0x2b: {  	s6 =	sld [smem:$0x3FB3]  }
0x2c: {  	s7 =	sld [smem:$0x3FB4]  }
0x2d: {  	s3 =	simm.s32 $0x108;
	s8 =	sld [smem:$0x3FB5]  }
0x2e: {  	s3 =	simm.s32 @!p0 $0x1082;
	s9 =	sld [smem:$0x3FB6]  }
0x2f: {  	lr =	sadd.s32 s0, s3;
	s0 =	sld [smem:$0x3FAD]  }
0x30: {  	s3 =	sld [smem:$0x3FB0]  }
0x31: {  	[smem:$0x3FB9] =	sst s10  }
0x32: {  	s10 =	sld [smem:$0x3FB7];
	_ =	sdelay $0x3  }
0x33: {  	p0 =	seq.s32 s10, $0x1;
	s10 =	sld [smem:$0x3FB9];
	_ =	sdelay $0x3  }
0x34: {  	[smem:$0x3FB9] =	sst s10  }
0x35: {  	s10 =	sld [smem:$0x3FB8];
	_ =	sdelay $0x3  }
0x36: {  	p1 =	seq.s32 s10, $0x1;
	s10 =	sld [smem:$0x3FB9];
	_ =	sdelay $0x3  }
0x37: {  	[smem:$0x3FB9] =	sst s10  }
0x38: {  	s10 =	sld [smem:$0x3FBA]  }
0x39: {  	_ = 	snop;
	(pc) =	sbr.ind lr, $3  }
0x3a: {  	_ = 	snop  }
0x3b: {  	_ = 	snop  }
0x3c: {  	p2 =	seq.s32 s10, $0x1;
	s10 =	sld [smem:$0x3FB9]  }
0x3d: {  	_ =	shalt  }
0x3e: {  	_ =	shalt  }
0x3f: {  	_ =	shalt  }
0x40: {  	_ =	shalt  }
0x41: {  	_ =	shalt  }
0x42: {  	_ =	shalt  }
0x43: {  	_ =	shalt  }
0x44: {  	_ =	shalt  }
0x45: {  	_ =	shalt  }
0x46: {  	_ =	shalt  }
0x47: {  	_ =	shalt  }
0x48: {  	_ =	shalt  }
0x49: {  	_ =	shalt  }
0x4a: {  	_ =	shalt  }
0x4b: {  	_ =	shalt  }
0x4c: {  	_ =	shalt  }
0x4d: {  	_ =	shalt  }
0x4e: {  	_ =	shalt  }
0x4f: {  	_ =	shalt  }
0x50: {  	_ =	shalt  }
0x51: {  	_ =	shalt  }
0x52: {  	_ =	shalt  }
0x53: {  	_ =	shalt  }
0x54: {  	_ =	shalt  }
0x55: {  	_ =	shalt  }
0x56: {  	_ =	shalt  }
0x57: {  	_ =	shalt  }
0x58: {  	_ =	shalt  }
0x59: {  	_ =	shalt  }
0x5a: {  	_ =	shalt  }
0x5b: {  	_ =	shalt  }
0x5c: {  	_ =	shalt  }
0x5d: {  	_ =	shalt  }
0x5e: {  	_ =	shalt  }
0x5f: {  	_ =	shalt  }
0x60: {  	_ =	shalt  }
0x61: {  	_ =	shalt  }
0x62: {  	_ =	shalt  }
0x63: {  	_ =	shalt  }
0x64: {  	_ =	shalt  }
0x65: {  	_ =	shalt  }
0x66: {  	_ =	shalt  }
0x67: {  	_ =	shalt  }
0x68: {  	_ =	shalt  }
0x69: {  	_ =	shalt  }
0x6a: {  	_ =	shalt  }
0x6b: {  	_ =	shalt  }
0x6c: {  	_ =	shalt  }
0x6d: {  	_ =	shalt  }
0x6e: {  	_ =	shalt  }
0x6f: {  	_ =	shalt  }
0x70: {  	_ =	shalt  }
0x71: {  	_ =	shalt  }
0x72: {  	_ =	shalt  }
0x73: {  	_ =	shalt  }
0x74: {  	_ =	shalt  }
0x75: {  	_ =	shalt  }
0x76: {  	_ =	shalt  }
0x77: {  	_ =	shalt  }
0x78: {  	_ =	shalt  }
0x79: {  	_ =	shalt  }
0x7a: {  	_ =	shalt  }
0x7b: {  	_ =	shalt  }
0x7c: {  	_ =	shalt  }
0x7d: {  	_ =	shalt  }
0x7e: {  	_ =	shalt  }
0x7f: {  	_ =	shalt  }
0x80: {  	_ =	shalt  }
0x81: {  	_ =	shalt  }
0x82: {  	_ =	shalt  }
0x83: {  	_ =	shalt  }
0x84: {  	_ =	shalt  }
0x85: {  	_ =	shalt  }
0x86: {  	_ =	shalt  }
0x87: {  	_ =	shalt  }
.Lfunc_end0:
.L_simem_size_0:
called_computation_lowered:
.L_overlay_start_0:
0x88: {  	s2 =	sld [smem:$0x3FD9]  }
0x89: {  	s3 =	sld [smem:$0x3FFE];
	_ =	sdelay $0x1  }
0x8a: {  	s1 =	srdreg.scid  }
0x8b: {  	s0 =	sand.u32 $0x1, s1  }
0x8c: {  	s17 =	sshll.u32 s0, $0xA;
	s2 =	sadd.s32 s3, s2  }
0x8d: {  	s2 =	sadd.s32 s2, s17  }
0x8e: {  	[smem:$0x3FC5] =	sst s2  }
0x8f: {  	_ = 	snop  }
0x90: {  	s2 =	sld [smem:$0x3FD0];
	(tm) =	ssettm $0x1  }
0x91: {  	s18 =	sld [smem:$0x3FFB];
	_ =	sdelay $0x3  }
0x92: {  	_ =	strace s18  }
0x93: {  	s3 =	sld [smem:$0x3FFC];
	_ =	sdelay $0x3  }
0x94: {  	_ =	strace s3  }
0x95: {  	s3 =	sld [smem:$0x3FFD];
	_ =	sdelay $0x3  }
0x96: {  	_ =	strace s3  }
0x97: {  	_ =	strace $0x8FFFFFFF  }
0x98: {  	s19 =	sld [smem:$0x3FDB];
	_ =	sdelay $0x1  }
0x99: {  	s4 =	simm.s32 $_scs_section_size  }
0x9a: {  	s5 =	simm.s32 $_size__tile_overlayer_lowered;
	s6 =	simm.s32 $_tile_overlayer_lowered  }
0x9b: {  	s22 =	simm.s32 $0x1BFF;
	s21 =	sshll.u32 s6, $0x1;
	s3 =	sadd.s32 s4, s19  }
0x9c: {  	s7 =	simm.s32 $0x0;
	s20 =	sshll.u32 s5, $0x1;
	s5 =	sadd.s32 s21, s3  }
0x9d: {  	[timem:s7], [sflag:s22] =	dma.local [hbm:s5], s20  }
0x9e: {  	_ =	swait.ge [sflag:s22], s20  }
0x9f: {  	s4 =	ssub.s32 $0x0, s20;
	[sflag:s22] =	ssyncset.done $0x0  }
0xa0: {  	[sflag:s22] =	ssyncadd.s32 s4;
	_ =	sdelay $0x1  }
0xa1: {  	s23 =	simm.s32 $0x1B8B  }
0xa2: {  	_ =	swait.ge [sflag:s23], $0x1  }
0xa3: {  	[sflag:s23] =	ssyncset.done $0x0  }
0xa4: {  	s25 =	simm.s32 $0x1B8E;
	s24 =	sld [smem:$0x3FFE];
	[sflag:s23] =	ssyncadd.s32 $0xFFFFFFFF  }
0xa5: {  	s26 =	simm.s32 $execute0_lowered;
	[smem:$0x3FD2] =	sst s25  }
0xa6: {  	s5 =	sshll.u32 s26, $0x1;
	_ =	strace $0x80000046;
	[dreg:$0x1] =	wrdreg $0xFFFFFFFF  }
0xa7: {  	s28 =	simm.s32 $_size_execute0_lowered;
	s3 =	sadd.s32 s3, s5;
	[dreg:$0x0] =	wrdreg $0x0  }
0xa8: {  	s5 =	sshll.u32 s28, $0x1;
	[dreg:$0x2] =	wrdreg s3  }
0xa9: {  	[dreg:$0x3] =	wrdreg s5  }
0xaa: {  	[dreg:$0x4] =	wrdreg $0xC0  }
0xab: {  	_ =	task [dreg:s7], $0x5FFFF  }
0xac: {  	[dreg:$0x1] =	wrdreg $0xFFFFFFFF  }
0xad: {  	[dreg:$0x0] =	wrdreg $0x60  }
0xae: {  	[dreg:$0x2] =	wrdreg s2  }
0xaf: {  	[dreg:$0x3] =	wrdreg s24  }
0xb0: {  	[dreg:$0x4] =	wrdreg $0x38000  }
0xb1: {  	[dreg:$0x5] =	wrdreg $0x9  }
0xb2: {  	_ =	task.clear_ibuf [dreg:s7], $0x6FFFF;
	_ =	strace $0x90000046  }
0xb3: {  	s29 =	simm.s32 $0x9;
	_ =	strace $0x80000048  }
0xb4: {  	_ =	swait.ge [sflag:s29], $0x1  }
0xb5: {  	[sflag:s29] =	ssyncadd.s32 $0xFFFFFFFF  }
0xb6: {  	_ =	strace $0x90000048  }
0xb7: {  	_ =	sfence  }
0xb8: {  	s30 =	sld [smem:$0x0];
	_ =	sdelay $0x2  }
0xb9: {  	s31 =	sshll.u32 s1, $0xD;
	s1 =	sshrl.u32 s1, $0x2  }
0xba: {  	s3 =	sand.u32 $0x4000, s31;
	s1 =	sadd.s32 s1, s30  }
0xbb: {  	s0 =	sor.u32 s3, s0;
	s1 =	sshll.u32 s1, $0x11  }
0xbc: {  	s0 =	sor.u32 s1, s0  }
0xbd: {  	s0 =	sadd.s32 $0x8F2B, s0  }
0xbe: {  	[sflag:s0] =	ssyncadd.remote.s32 $0x1  }
0xbf: {  	_ =	sfence.sel $0xFFFF  }
0xc0: {  	[dreg:$0x0] =	wrdreg $0xFFFFFFFF;
	(pc) =	sbr.abs _section_cstart, $3  }
0xc1: {  	[dreg:$0x1] =	wrdreg $0xFFFFFFFF  }
0xc2: {  	_ =	task.clear_ibuf [dreg:s7], $0x2FFFF;
	_ =	strace $0x9FFFFFFF  }
0xc3: {  	(tm) =	ssettm $0x7FFFFFFF  }
tec
execute0_lowered:
.L_overlay_start_1:
0x0: {  	(tag) =	ssettag $0x1  }
0x1: {  	s4 =	rddreg [dreg:$0x0]  }
0x2: {  	s5 =	rddreg [dreg:$0x1]  }
0x3: {  	s0 =	srdreg.scid;
	s2 =	rddreg [dreg:$0x2]  }
0x4: {  	s1 =	rddreg [dreg:$0x3];
	s6 =	sand.u32 $0x1, s0  }
0x5: {  	s3 =	simm.s32 $0x0;
	s0 =	stileid.u32;
	s7 =	smul.u32 $0x14000, s6  }
0x6: {  	s14 =	simm.s32 $0x1;
	s15 =	simm.s32 $0x80;
	s8 =	smul.u32 $0x1400, s0  }
0x7: {  	s16 =	simm.s32 $0x2;
	[smem:$0x7FF] =	sst s3;
	s9 =	smul.u32 $0x186A0, s0  }
0x8: {  	s17 =	simm.s32 $0x0;
	s10 =	smul.u32 $0x186A00, s6;
	_ =	strace $0x80000047  }
0x9: {  	s11 =	sshll.u32 s0, $0x9;
	s29 =	ssub.s32 $0x2, s6;
	s6 =	sshll.u32 s6, $0xD  }
0xa: {  	s11 =	sadd.s32 s11, s5;
	s30 =	sshrl.u32 s29, $0x1;
	s7 =	sadd.s32 s8, s7  }
0xb: {  	s28 =	sadd.s32 s9, s10;
	s10 =	ssub.s32 s29, s30;
	s13 =	sadd.s32 s9, s2  }
0xc: {  	s31 =	sadd.s32 s6, s11;
	s7 =	sshrl.u32 s7, $0x3;
	s8 =	sshrl.u32 s28, $0x3  }
0xd: {  	s10 =	smax.u32 s10, $0x1;
	s11 =	sshrl.u32 s13, $0x3;
	s13 =	simm.s32 $0x1400  }
0xe: {  	s7 =	sadd.s32 s7, s5;
	s12 =	sadd.s32 s8, s5;
	s5 =	sshll.u32 s0, $0x6  }
0xf: {  	v0 =	vlaneseq.u32;
	s4 =	sadd.s32 s4, s8;
	s8 =	sadd.s32 $0x800, s31;
	s6 =	sor.u32 $0x1C01, s5  }
0x10: {  	v0 =	vmul.u32 $0x14, v0;
	s7 =	sadd.s32 $0x4800, s7;
	s9 =	sadd.s32 $0x9800, s12;
	s12 =	simm.s32 $0x3  }
.LBB2_1:
0x11: {  	[spmem:s11], [sflag:s6] =	dma.local [hbm:s4], $0x30D4  }
0x12: {  	[tilespmem:s3], [sflag:$0x3] =	stream.linear.gather [hbm4b:s7+s3], $0x1400, $0x38;
	[tilespmem:$0x1BEA0] =	vst v63  }
0x13: {  	_ =	swait.ge [sflag:s12], $0x1400  }
0x14: {  	[sflag:s12] =	ssyncset.done $0x0  }
0x15: {  	[sflag:s12] =	ssyncadd.s32 $0xFFFFEC00  }
0x16: {  	[tilespmem:s13], [sflag:$0x3] =	stream.linear.gather [hbm4b:s8+s3], $0x1000, $0x38;
	[tilespmem:$0x1BEA0] =	vst v63  }
0x17: {  	_ =	swait.ge [sflag:s12], $0x1000  }
0x18: {  	[sflag:s12] =	ssyncset.done $0x0  }
0x19: {  	s21 =	simm.s32 $0x0;
	s18 =	simm.s32 $0x40;
	[sflag:s12] =	ssyncadd.s32 $0xFFFFF000  }
.LBB2_2:
0x1a: {  	p0 =	sne.s32 s18, $0x3FC0;
	v1 =	vld [tilespmem:s21+$0x1400];
	_ =	sdelay $0x2  }
.Ltmp0:
0x1b: {  	(pc) =	sbr.rel @p0 .LBB2_2-.Ltmp0, $3  }
0x1c: {  	_ = 	snop  }
0x1d: {  	v1 =	vmul.f32 $-9.999999770e-03, v1;
	_ =	sdelay $0x1  }
0x1e: {  	[tilespmem:s21+$0x1400] =	vst v1;
	s21 =	sshra.s32 s18, $0x2;
	s18 =	sadd.s32 $0x40, s18  }
0x1f: {  	s18 =	simm.s32 $0x0  }
0x20: {  	s19 =	sand.u32 $0xF, s18  }
0x21: {  	v1 =	vld [tilespmem:s21+$0x1400];
	s19 =	smul.u32 $0x140, s19;
	_ =	sdelay $0x1  }
0x22: {  	s19 =	sadd.s32 $0x0, s19  }
0x23: {  	v2 =	vadd.s32 s19, v0  }
0x24: {  	s20 =	simm.s32 $0x1  }
0x25: {  	s30 =	sand.u32 $0xF, s20;
	v1 =	vmul.f32 $-9.999999770e-03, v1  }
0x26: {  	s22 =	smul.u32 $0x140, s30  }
0x27: {  	[tilespmem:s21+$0x1400] =	vst v1  }
0x28: {  	s31 =	sadd.s32 $0x0, s22;
	v1 =	vld.idx.msk [tilespmem:v2+s3+$0x0], $0xffff  }
0x29: {  	s23 =	simm.s32 $0x0;
	v2 =	vadd.s32 s31, v0  }
0x2a: {  	s24 =	sand.u32 $0x80, s18;
	s23 =	sand.u32 $0x3FFFFF00, s23  }
0x2b: {  	s25 =	sand.u32 $0x70, s18;
	s23 =	sor.u32 s24, s23;
	s19 =	simm.s32 $0x2  }
0x2c: {  	s23 =	sor.u32 s25, s23;
	s22 =	sand.u32 $0xF, s19;
	s21 =	simm.s32 $0x3  }
.LBB2_4:
0x2d: {  	p0 =	sne.s32 s21, $0x13F;
	s22 =	smul.u32 $0x140, s22;
	[tilespmem:s23+$0x2400] =	vst v1  }
0x2e: {  	s23 =	sshrl.u32 s19, $0x4;
	v1 =	vld.idx.msk [tilespmem:v2+s3+$0x0], $0xffff  }
.Ltmp1:
0x2f: {  	s22 =	sadd.s32 s23, s22;
	(pc) =	sbr.rel @p0 .LBB2_4-.Ltmp1, $4  }
0x30: {  	s18 =	sadd.s32 $0x10, s18;
	v2 =	vadd.s32 s22, v0;
	s22 =	sshll.u32 s20, $0x4;
	s20 =	smov.u32 s19  }
0x31: {  	s23 =	sand.u32 $0x80, s18;
	s19 =	smov.u32 s21;
	s22 =	sand.u32 $0x3FFFFF00, s22  }
0x32: {  	s24 =	sand.u32 $0x70, s18;
	s23 =	sor.u32 s23, s22  }
0x33: {  	s21 =	sadd.s32 $0x1, s21;
	s22 =	sand.u32 $0xF, s19;
	s23 =	sor.u32 s24, s23  }
0x34: {  	_ =	sdelay $0x1  }
0x35: {  	s21 =	smul.u32 $0x140, s22  }
0x36: {  	[tilespmem:s23+$0x2400] =	vst v1;
	s26 =	sshrl.u32 s19, $0x4  }
0x37: {  	v1 =	vld.idx.msk [tilespmem:v2+s3+$0x0], $0xffff;
	s21 =	sadd.s32 s26, s21  }
0x38: {  	s20 =	sshll.u32 s20, $0x4;
	s18 =	sadd.s32 $0x10, s18;
	v2 =	vadd.s32 s21, v0  }
0x39: {  	s28 =	sand.u32 $0x80, s18;
	s20 =	sand.u32 $0x3FFFFF00, s20  }
0x3a: {  	s29 =	sand.u32 $0x70, s18;
	s20 =	sor.u32 s28, s20  }
0x3b: {  	s20 =	sor.u32 s29, s20  }
0x3c: {  	[tilespmem:s20+$0x2400] =	vst v1  }
0x3d: {  	v1 =	vld.idx.msk [tilespmem:v2+s3+$0x0], $0xffff  }
0x3e: {  	s30 =	sshll.u32 s19, $0x4;
	s18 =	sadd.s32 $0x10, s18  }
0x3f: {  	s19 =	sand.u32 $0x3FFFFF00, s30;
	s31 =	sand.u32 $0x80, s18  }
0x40: {  	s18 =	sand.u32 $0x70, s18;
	s19 =	sor.u32 s31, s19  }
0x41: {  	s18 =	sor.u32 s18, s19  }
0x42: {  	[tilespmem:s18+$0x2400] =	vst v1  }
0x43: {  	_ =	swait.ge [sflag:s14], $0x30D4  }
0x44: {  	[sflag:s14] =	ssyncset.done $0x0  }
0x45: {  	[sflag:s14] =	ssyncadd.s32 $0xFFFFCF2C  }
0x46: {  	s19 =	simm.s32 $0x2400;
	s18 =	simm.s32 $0x0;
	[bflag:$0x0] =	sbarrier.arrive $0xFFFF  }
.LBB2_6:
0x47: {  	p0 =	sne.s32 s18, $0x13800  }
.Ltmp2:
0x48: {  	_ = 	snop;
	(pc) =	sbr.rel @p0 .LBB2_6-.Ltmp2, $4  }
0x49: {  	s20 =	sand.u32 $0x800, s18  }
0x4a: {  	s20 =	sor.u32 $0x1400, s20  }
0x4b: {  	[spmem:s2] =	stream.indirect.scatter.add.f32 [tilespmem:s20], [sflag:$0x2], $0x10, s19, s15, $0xb8;
	[tilespmem:$0x1BEA0] =	vst v63  }
0x4c: {  	s18 =	sadd.s32 $0x800, s18;
	s19 =	sadd.s32 $0x80, s19  }
0x4d: {  	_ =	swait.ge [sflag:s16], $0x800  }
0x4e: {  	s18 =	simm.s32 $0x27;
	[sflag:s16] =	ssyncset.done $0x0  }
.LBB2_8:
0x4f: {  	p0 =	sne.s32 s18, $0x1;
	s18 =	sadd.s32 $0xFFFFFFFF, s18;
	[sflag:s16] =	ssyncadd.s32 $0xFFFFF800  }
.Ltmp3:
0x50: {  	(pc) =	sbr.rel @p0 .LBB2_8-.Ltmp3, $3  }
0x51: {  	_ =	sdelay $0x1  }
0x52: {  	_ =	swait.ge [sflag:s16], $0x800  }
0x53: {  	[sflag:s16] =	ssyncset.done $0x0  }
0x54: {  	s17 =	sadd.s32 $0x1, s17  }
0x55: {  	[sflag:s16] =	ssyncadd.s32 $0xFFFFF800;
	p0 =	sne.s32 s17, s10  }
.Ltmp4:
0x56: {  	s18 =	sor.u32 $0x1C03, s5;
	[bflag:$0x0] =	sbarrier.arrive $0xFFFF;
	(pc) =	sbr.rel @p0 .LBB2_1-.Ltmp4, $4  }
0x57: {  	[hbm:s9], [sflag:s18] =	dma.local [spmem:s11], $0x30D4  }
0x58: {  	_ =	swait.ge [sflag:s12], $0x30D4  }
0x59: {  	[sflag:s12] =	ssyncset.done $0x0  }
0x5a: {  	[sflag:s12] =	ssyncadd.s32 $0xFFFFCF2C  }
0x5b: {  	_ =	sfence.sel $0x180000  }
0x5c: {  	[bflag:$0x0] =	sbarrier.arrive $0xFFFF  }
0x5d: {  	p0 =	sne.s32 s0, $0x0;
	_ =	strace $0x90000047  }
0x5e: {  	s0 =	sadd.s32 @!p0 $0x100000, s1;
	[bflag:$0x2] =	sbarrier.arrive $0xFFFF  }
0x5f: {  	[sflag:s0] =	ssyncadd.tile.s32 @!p0 $0x1;
	_ =	shalt  }
.Lfunc_end2:
_tile_overlayer_lowered:
.L_overlay_start_2:
0x60: {  	(tag) =	ssettag $0x2  }
0x61: {  	s0 =	rddreg [dreg:$0x0];
	s2 =	stileid.u32  }
0x62: {  	s1 =	rddreg [dreg:$0x1];
	p0 =	sne.s32 s2, $0x0  }
0x63: {  	s3 =	rddreg [dreg:$0x2];
	[bflag:$0x3] =	sbarrier.arrive $0xFFFF;
	s2 =	simm.s32 @!p0 $0x1C03  }
0x64: {  	[timem:s3], [sflag:s2] =	dma.local @!p0 [hbm:s0], s1  }
0x65: {  	s0 =	simm.s32 @!p0 $0x3  }
0x66: {  	_ =	swait.ge @!p0 [sflag:s0], s1  }
0x67: {  	s1 =	ssub.s32 @!p0 $0x0, s1;
	[sflag:s0] =	ssyncset.done @!p0 $0x0  }
0x68: {  	[sflag:s0] =	ssyncadd.s32 @!p0 s1  }
0x69: {  	[bflag:$0x3] =	sbarrier.arrive $0xFFFF  }
0x6a: {  	_ =	shalt  }

</sc_bundles>
